<compile_context>
chip_gen: v7x
topology: tpu7x:2x2x1
jax: 0.10.2.dev20260603
libtpu: 0.0.44.dev20260713+nightly
codegen_flags: <defaults>
</compile_context>

<pallas_src>
import functools

import jax
import jax.numpy as jnp
from jax import lax
from jax.experimental import pallas as pl
from jax.experimental.pallas import tpu as pltpu
from jax.experimental.pallas import tpu_sc as plsc

_WIN = 4
_W2 = 2 * _WIN


def _pos_body(Tx, x_ref, wp2_ref, wp1_hbm, idx_ref, wp1_v, sem):
    B = x_ref.shape[0]
    cp = pltpu.make_async_copy(wp1_hbm, wp1_v, sem)
    cp.start()
    x = x_ref[...]
    cp.wait()
    p = lax.dot_general(x, wp1_v[...], (((1,), (1,)), ((), ())))
    p = jnp.tanh(p)
    w8 = jnp.broadcast_to(wp2_ref[...], (_W2, wp2_ref.shape[1]))
    p = lax.dot_general(p, w8, (((1,), (1,)), ((), ())))[:, :1]
    pt = Tx * jax.nn.sigmoid(p)
    bl = (pt - _WIN).astype(jnp.int32)
    j = lax.broadcasted_iota(jnp.int32, (B, _W2), 1)
    b = lax.broadcasted_iota(jnp.int32, (B, _W2), 0)
    idx_ref[...] = jnp.clip(bl + j, 0, Tx - 1) + b * Tx


def _make_sc_gather(n_rows, dim, rows_per_worker):
    n_workers = n_rows // rows_per_worker
    mesh = plsc.VectorSubcoreMesh(core_axis_name="c", subcore_axis_name="s")

    @functools.partial(
        pl.kernel,
        out_type=jax.ShapeDtypeStruct((n_rows, dim), jnp.float32),
        mesh=mesh,
        scratch_types=[
            pltpu.VMEM((rows_per_worker,), jnp.int32),
            pltpu.VMEM((rows_per_worker, dim), jnp.float32),
            pltpu.SemaphoreType.DMA,
        ],
    )
    def gather_k(table_hbm, idx_hbm, out_hbm, idx_v, rows_v, sem):
        wid = lax.axis_index("s") * 2 + lax.axis_index("c")

        @pl.when(wid < n_workers)
        def _():
            base = wid * rows_per_worker
            pltpu.sync_copy(idx_hbm.at[pl.ds(base, rows_per_worker)], idx_v)
            pltpu.async_copy(table_hbm.at[idx_v], rows_v, sem).wait()
            pltpu.sync_copy(rows_v, out_hbm.at[pl.ds(base, rows_per_worker)])

    return gather_k


def _attn_body(x_ref, win_ref, win_hbm, wout_hbm, h_ref, attn_ref,
               winv, woutv, sem_win, sem_wout):
    B, dim = x_ref.shape
    half = dim // 2
    cp_win = pltpu.make_async_copy(win_hbm, winv, sem_win)
    cp_wout = [
        pltpu.make_async_copy(
            wout_hbm.at[pl.ds(i * half, half), :],
            woutv.at[pl.ds(i * half, half), :], sem_wout[i])
        for i in range(2)
    ]
    cp_win.start()
    for cp in cp_wout:
        cp.start()
    x = x_ref[...]
    w = win_ref[...]
    cp_win.wait()
    t = lax.dot_general(x, winv[...], (((1,), (1,)), ((), ())))
    rows = []
    for b in range(B):
        tb8 = jnp.broadcast_to(t[b : b + 1, :], (_W2, dim))
        rows.append(
            lax.dot_general(tb8, w[b], (((1,), (1,)), ((), ())))[:1, :]
        )
    scores = jnp.concatenate(rows, axis=0)
    m = jnp.max(scores, axis=1, keepdims=True)
    e = jnp.exp(scores - m)
    a = e / jnp.sum(e, axis=1, keepdims=True)
    attn_ref[...] = a
    wcs = [
        lax.dot_general(a[b : b + 1, :], w[b], (((1,), (0,)), ((), ())))
        for b in range(B)
    ]
    wc = jnp.concatenate(wcs, axis=0)
    for i, cp in enumerate(cp_wout):
        cp.wait()
        wo = woutv[i * half : (i + 1) * half, :]
        h = lax.dot_general(wc, wo[:, :dim], (((1,), (1,)), ((), ())))
        h = h + lax.dot_general(x, wo[:, dim:], (((1,), (1,)), ((), ())))
        h_ref[:, i * half : (i + 1) * half] = jnp.tanh(h)


def kernel(input, context, W_in, W_out, W_p1, W_p2):
    B, Tx, dim = context.shape
    hbm = pl.BlockSpec(memory_space=pl.ANY)

    idx = pl.pallas_call(
        functools.partial(_pos_body, Tx),
        in_specs=[
            pl.BlockSpec(memory_space=pltpu.VMEM),
            pl.BlockSpec(memory_space=pltpu.VMEM),
            hbm,
        ],
        out_shape=jax.ShapeDtypeStruct((B, _W2), jnp.int32),
        scratch_shapes=[
            pltpu.VMEM((dim // 2, dim), jnp.float32),
            pltpu.SemaphoreType.DMA,
        ],
    )(input, W_p2, W_p1)

    table = context.reshape(B * Tx, dim)
    window = _make_sc_gather(B * _W2, dim, _W2)(table, idx.reshape(B * _W2))

    h, attn = pl.pallas_call(
        _attn_body,
        in_specs=[
            pl.BlockSpec(memory_space=pltpu.VMEM),
            pl.BlockSpec(memory_space=pltpu.VMEM),
            hbm,
            hbm,
        ],
        out_shape=[
            jax.ShapeDtypeStruct((B, dim), jnp.float32),
            jax.ShapeDtypeStruct((B, _W2), jnp.float32),
        ],
        scratch_shapes=[
            pltpu.VMEM((dim, dim), jnp.float32),
            pltpu.VMEM((dim, 2 * dim), jnp.float32),
            pltpu.SemaphoreType.DMA,
            [pltpu.SemaphoreType.DMA] * 2,
        ],
    )(input, window.reshape(B, _W2, dim), W_in, W_out)

    return (h, attn)

# --- scband reference (transcript-rebuilt; emitter-appended) ---
"""Pipeline reference for scband-local-dot-attention-5755256177188 (READ-ONLY COPY).

The authoritative reference and input builder live on the scoring server;
editing this copy changes nothing except your own understanding.
"""

import jax, jax.numpy as jnp
import numpy as np

WINDOW = 4

def setup_inputs(seed: int = 0) -> dict:
    key = jax.random.key(seed)
    ks = jax.random.split(key, 6)
    dim = 1024
    B, Tx = 4, 8192
    return {
        "input": jax.random.normal(ks[0], (B, dim), dtype=jnp.float32),
        "context": jax.random.normal(ks[1], (B, Tx, dim), dtype=jnp.float32),
        "W_in": jax.random.normal(ks[2], (dim, dim), dtype=jnp.float32) * 0.02,
        "W_out": jax.random.normal(ks[3], (dim, 2 * dim), dtype=jnp.float32) * 0.02,
        "W_p1": jax.random.normal(ks[4], (dim // 2, dim), dtype=jnp.float32) * 0.02,
        "W_p2": jax.random.normal(ks[5], (1, dim // 2), dtype=jnp.float32) * 0.02,
    }


def reference(input, context, W_in, W_out, W_p1, W_p2):
    # input: [B, dim]; context: [B, Tx, dim]
    B, Tx, dim = context.shape
    # predictive alignment position pt = Tx * sigmoid(v^T tanh(W_p x))
    pt = jnp.tanh(input @ W_p1.T)          # [B, dim//2]
    pt = pt @ W_p2.T                        # [B, 1]
    pt = Tx * jax.nn.sigmoid(pt)            # [B, 1]
    bl = jax.lax.stop_gradient(pt - WINDOW).astype(jnp.int32)  # [B, 1] window lower bound
    indices = bl + jnp.arange(2 * WINDOW, dtype=jnp.int32)[None, :]  # [B, 2*WINDOW]
    indices = jnp.clip(indices, 0, Tx - 1)
    # gather local context window: [B, 2*WINDOW, dim]
    context_window = jnp.take_along_axis(context, indices[:, :, None], axis=1)
    target = (input @ W_in.T)[:, :, None]   # [B, dim, 1]
    attn = jnp.squeeze(jnp.matmul(context_window, target), axis=2)  # [B, 2*WINDOW]
    # dropout is identity at inference; softmax over window dim
    attn = jax.nn.softmax(attn, axis=1)
    attn3 = attn[:, None, :]                # [B, 1, 2*WINDOW]
    weighted_context = jnp.squeeze(jnp.matmul(attn3, context_window), axis=1)  # [B, dim]
    h_tilde = jnp.concatenate([weighted_context, input], axis=1)  # [B, 2*dim]
    h_tilde = jnp.tanh(h_tilde @ W_out.T)   # [B, dim]
    return (h_tilde, attn)

if __name__ == "__main__":
    import jax
    _d = setup_inputs()
    print(jax.jit(kernel)(*tuple(_d.values())))

</pallas_src>

<mosaic_0001>
#map = affine_map<(d0, d1) -> (0, 0)>
#map1 = affine_map<(d0, d1) -> (0)>
module attributes {stable_mosaic.version = 14 : i64} {
  func.func @gather_k(%arg0: i32, %arg1: i32, %arg2: memref<32768x1024xf32, #tpu.memory_space<hbm>>, %arg3: memref<32xi32, #tpu.memory_space<hbm>>, %arg4: memref<32x1024xf32, #tpu.memory_space<hbm>>, %arg5: memref<8xi32, #tpu.memory_space<vmem>>, %arg6: memref<8x1024xf32, #tpu.memory_space<vmem>>, %arg7: memref<!tpu.dma_semaphore, #tpu.memory_space<semaphore_mem>>) attributes {dimension_semantics = [#tpu.dimension_semantics<core_parallel>, #tpu.dimension_semantics<subcore_parallel>], iteration_bounds = array<i64: 2, 16>, scalar_prefetch = 0 : i64, scratch_operands = 3 : i64, tpu.core_type = #tpu.core_type<sc_vector_subcore>, window_params = [{transform_indices = #map}, {transform_indices = #map1}, {transform_indices = #map}]} {
    %mul3A = arith.constant 2 : i32
    %mul3A_0 = arith.muli %arg1, %mul3A : i32
    %add3A = arith.addi %mul3A_0, %arg0 : i32
    %lt3A = arith.constant 4 : i32
    %lt3A_1 = arith.cmpi slt, %add3A, %lt3A : i32
    %convert_element_type3A = arith.extui %lt3A_1 : i1 to i32
    %cond3A = arith.constant 0 : i32
    %cond3A_2 = arith.cmpi ne, %convert_element_type3A, %cond3A : i32
    scf.if %cond3A_2 {
      %mul3A_3 = arith.constant 8 : i32
      %mul3A_4 = arith.muli %add3A, %mul3A_3 : i32
      "tpu.region"() ({
        %run_scoped3A = tpu.sem_alloc : memref<!tpu.dma_semaphore, #tpu.memory_space<semaphore_mem>>
        %dma_start3A_9 = tpu.memref_slice %arg3[%mul3A_4] : memref<32xi32, #tpu.memory_space<hbm>> -> memref<8xi32, #tpu.memory_space<hbm>>
        %dma_start3A_10 = tpu.memref_slice %arg3[%mul3A_4] : memref<32xi32, #tpu.memory_space<hbm>> -> memref<8xi32, #tpu.memory_space<hbm>>
        tpu.enqueue_dma source(%dma_start3A_10 : memref<8xi32, #tpu.memory_space<hbm>>) target(%arg5 : memref<8xi32, #tpu.memory_space<vmem>>) target_semaphore(%run_scoped3A : memref<!tpu.dma_semaphore, #tpu.memory_space<semaphore_mem>>)
        %dma_wait3A_11 = tpu.memref_slice %arg3[%mul3A_4] : memref<32xi32, #tpu.memory_space<hbm>> -> memref<8xi32, #tpu.memory_space<hbm>>
        %dma_wait3A_12 = tpu.memref_slice %arg3[%mul3A_4] : memref<32xi32, #tpu.memory_space<hbm>> -> memref<8xi32, #tpu.memory_space<hbm>>
        tpu.wait_dma2 semaphore(%run_scoped3A : memref<!tpu.dma_semaphore, #tpu.memory_space<semaphore_mem>>) src(%dma_wait3A_12 : memref<8xi32, #tpu.memory_space<hbm>>) dst(%arg5 : memref<8xi32, #tpu.memory_space<vmem>>)
        tpu.yield
      }) : () -> ()
      %dma_start3A = arith.constant 0 : i32
      %dma_start3A_5 = arith.constant 0 : i32
      %dma_start3A_6 = tpu.memref_slice %arg2[%dma_start3A, %dma_start3A_5] : memref<32768x1024xf32, #tpu.memory_space<hbm>> -> memref<32768x1024xf32, #tpu.memory_space<hbm>>
      tpu.enqueue_indirect_dma source(%dma_start3A_6 : memref<32768x1024xf32, #tpu.memory_space<hbm>>) target(%arg6 : memref<8x1024xf32, #tpu.memory_space<vmem>>) offsets(%arg5 : memref<8xi32, #tpu.memory_space<vmem>>) semaphore(%arg7 : memref<!tpu.dma_semaphore, #tpu.memory_space<semaphore_mem>>)
      %dma_wait3A = arith.constant 0 : i32
      %dma_wait3A_7 = arith.constant 0 : i32
      %dma_wait3A_8 = tpu.memref_slice %arg2[%dma_wait3A, %dma_wait3A_7] : memref<32768x1024xf32, #tpu.memory_space<hbm>> -> memref<32768x1024xf32, #tpu.memory_space<hbm>>
      tpu.wait_indirect_dma semaphore(%arg7 : memref<!tpu.dma_semaphore, #tpu.memory_space<semaphore_mem>>) src(%dma_wait3A_8 : memref<32768x1024xf32, #tpu.memory_space<hbm>>) dst(%arg6 : memref<8x1024xf32, #tpu.memory_space<vmem>>)
      "tpu.region"() ({
        %run_scoped3A = tpu.sem_alloc : memref<!tpu.dma_semaphore, #tpu.memory_space<semaphore_mem>>
        %dma_start3A_9 = arith.constant 0 : i32
        %dma_start3A_10 = tpu.memref_slice %arg4[%mul3A_4, %dma_start3A_9] : memref<32x1024xf32, #tpu.memory_space<hbm>> -> memref<8x1024xf32, #tpu.memory_space<hbm>>
        %dma_start3A_11 = arith.constant 0 : i32
        %dma_start3A_12 = tpu.memref_slice %arg4[%mul3A_4, %dma_start3A_11] : memref<32x1024xf32, #tpu.memory_space<hbm>> -> memref<8x1024xf32, #tpu.memory_space<hbm>>
        tpu.enqueue_dma source(%arg6 : memref<8x1024xf32, #tpu.memory_space<vmem>>) target(%dma_start3A_12 : memref<8x1024xf32, #tpu.memory_space<hbm>>) target_semaphore(%run_scoped3A : memref<!tpu.dma_semaphore, #tpu.memory_space<semaphore_mem>>)
        %dma_wait3A_13 = arith.constant 0 : i32
        %dma_wait3A_14 = tpu.memref_slice %arg4[%mul3A_4, %dma_wait3A_13] : memref<32x1024xf32, #tpu.memory_space<hbm>> -> memref<8x1024xf32, #tpu.memory_space<hbm>>
        %dma_wait3A_15 = arith.constant 0 : i32
        %dma_wait3A_16 = tpu.memref_slice %arg4[%mul3A_4, %dma_wait3A_15] : memref<32x1024xf32, #tpu.memory_space<hbm>> -> memref<8x1024xf32, #tpu.memory_space<hbm>>
        tpu.wait_dma2 semaphore(%run_scoped3A : memref<!tpu.dma_semaphore, #tpu.memory_space<semaphore_mem>>) src(%arg6 : memref<8x1024xf32, #tpu.memory_space<vmem>>) dst(%dma_wait3A_16 : memref<8x1024xf32, #tpu.memory_space<hbm>>)
        tpu.yield
      }) : () -> ()
    } else {
    }
    return
  }
}

module attributes {stable_mosaic.version = 14 : i64} {
  func.func @_pos_body(%arg0: memref<4x1024xf32, #tpu.memory_space<vmem>>, %arg1: memref<1x512xf32, #tpu.memory_space<vmem>>, %arg2: memref<512x1024xf32, #tpu.memory_space<any>>, %arg3: memref<4x8xi32, #tpu.memory_space<vmem>>, %arg4: memref<512x1024xf32, #tpu.memory_space<vmem>>, %arg5: memref<!tpu.dma_semaphore, #tpu.memory_space<semaphore_mem>>) attributes {dimension_semantics = [], scalar_prefetch = 0 : i64, scratch_operands = 2 : i64, tpu.core_type = #tpu.core_type<tc>} {
    tpu.enqueue_dma source(%arg2 : memref<512x1024xf32, #tpu.memory_space<any>>) target(%arg4 : memref<512x1024xf32, #tpu.memory_space<vmem>>) target_semaphore(%arg5 : memref<!tpu.dma_semaphore, #tpu.memory_space<semaphore_mem>>)
    %get3A = arith.constant 0 : index
    %get3A_0 = arith.constant 0 : index
    %get3A_1 = vector.load %arg0[%get3A, %get3A_0] : memref<4x1024xf32, #tpu.memory_space<vmem>>, vector<4x1024xf32>
    tpu.wait_dma2 semaphore(%arg5 : memref<!tpu.dma_semaphore, #tpu.memory_space<semaphore_mem>>) src(%arg2 : memref<512x1024xf32, #tpu.memory_space<any>>) dst(%arg4 : memref<512x1024xf32, #tpu.memory_space<vmem>>)
    %get3A_2 = arith.constant 0 : index
    %get3A_3 = arith.constant 0 : index
    %get3A_4 = vector.load %arg4[%get3A_2, %get3A_3] : memref<512x1024xf32, #tpu.memory_space<vmem>>, vector<512x1024xf32>
    %dot_general3A = arith.constant dense<0.000000e+00> : vector<4x512xf32>
    %dot_general3A_5 = tpu.matmul %get3A_1, %get3A_4, %dot_general3A {dimension_numbers = #tpu.dot_dimension_numbers<[1], [1], [0], [0], [0, 0, 1, 0], [], []>, transpose_lhs_hint = false} : vector<4x1024xf32>, vector<512x1024xf32>, vector<4x512xf32> -> vector<4x512xf32>
    %tanh3A = math.tanh %dot_general3A_5 : vector<4x512xf32>
    %get3A_6 = arith.constant 0 : index
    %get3A_7 = arith.constant 0 : index
    %get3A_8 = vector.load %arg1[%get3A_6, %get3A_7] : memref<1x512xf32, #tpu.memory_space<vmem>>, vector<1x512xf32>
    %broadcast_in_dim3A = vector.shape_cast %get3A_8 : vector<1x512xf32> to vector<1x512xf32>
    %broadcast_in_dim3A_9 = vector.broadcast %broadcast_in_dim3A : vector<1x512xf32> to vector<8x512xf32>
    %dot_general3A_10 = arith.constant dense<0.000000e+00> : vector<4x8xf32>
    %dot_general3A_11 = tpu.matmul %tanh3A, %broadcast_in_dim3A_9, %dot_general3A_10 {dimension_numbers = #tpu.dot_dimension_numbers<[1], [1], [0], [0], [0, 0, 1, 0], [], []>, transpose_lhs_hint = false} : vector<4x512xf32>, vector<8x512xf32>, vector<4x8xf32> -> vector<4x8xf32>
    %slice3A = vector.extract_strided_slice %dot_general3A_11 {offsets = [0, 0], sizes = [4, 1], strides = [1, 1]} : vector<4x8xf32> to vector<4x1xf32>
    %logistic3A = arith.negf %slice3A : vector<4x1xf32>
    %logistic3A_12 = math.exp %logistic3A : vector<4x1xf32>
    %logistic3A_13 = arith.constant 1.000000e+00 : f32
    %logistic3A_14 = vector.broadcast %logistic3A_13 : f32 to vector<4x1xf32>
    %logistic3A_15 = arith.addf %logistic3A_14, %logistic3A_12 : vector<4x1xf32>
    %logistic3A_16 = arith.divf %logistic3A_14, %logistic3A_15 : vector<4x1xf32>
    %mul3A = arith.constant 8.192000e+03 : f32
    %mul3A_17 = vector.broadcast %mul3A : f32 to vector<4x1xf32>
    %mul3A_18 = arith.mulf %mul3A_17, %logistic3A_16 : vector<4x1xf32>
    %sub3A = arith.constant 4.000000e+00 : f32
    %sub3A_19 = vector.broadcast %sub3A : f32 to vector<4x1xf32>
    %sub3A_20 = arith.subf %mul3A_18, %sub3A_19 : vector<4x1xf32>
    %convert_element_type3A = arith.fptosi %sub3A_20 : vector<4x1xf32> to vector<4x1xi32>
    %iota3A = tpu.iota {dimensions = array<i32: 1>} : vector<4x8xi32>
    %iota3A_21 = tpu.iota {dimensions = array<i32: 0>} : vector<4x8xi32>
    %add3A = vector.broadcast %convert_element_type3A : vector<4x1xi32> to vector<4x8xi32>
    %add3A_22 = arith.addi %add3A, %iota3A : vector<4x8xi32>
    %jit3A = arith.constant 0 : i32
    %jit3A_23 = arith.constant 8191 : i32
    %max3A = vector.broadcast %jit3A : i32 to vector<4x8xi32>
    %max3A_24 = arith.maxsi %max3A, %add3A_22 : vector<4x8xi32>
    %min3A = vector.broadcast %jit3A_23 : i32 to vector<4x8xi32>
    %min3A_25 = arith.minsi %min3A, %max3A_24 : vector<4x8xi32>
    %mul3A_26 = arith.constant 8192 : i32
    %mul3A_27 = vector.broadcast %mul3A_26 : i32 to vector<4x8xi32>
    %mul3A_28 = arith.muli %iota3A_21, %mul3A_27 : vector<4x8xi32>
    %add3A_29 = arith.addi %min3A_25, %mul3A_28 : vector<4x8xi32>
    %swap3A = arith.constant 0 : index
    %swap3A_30 = arith.constant 0 : index
    %swap3A_31 = vector.load %arg3[%swap3A, %swap3A_30] : memref<4x8xi32, #tpu.memory_space<vmem>>, vector<4x8xi32>
    tpu.vector_store %arg3[%swap3A, %swap3A_30], %add3A_29 {strides = array<i32>} : memref<4x8xi32, #tpu.memory_space<vmem>>, vector<4x8xi32>,
    return
  }
}

module attributes {stable_mosaic.version = 14 : i64} {
  func.func @_attn_body(%arg0: memref<4x1024xf32, #tpu.memory_space<vmem>>, %arg1: memref<4x8x1024xf32, #tpu.memory_space<vmem>>, %arg2: memref<1024x1024xf32, #tpu.memory_space<any>>, %arg3: memref<1024x2048xf32, #tpu.memory_space<any>>, %arg4: memref<4x1024xf32, #tpu.memory_space<vmem>>, %arg5: memref<4x8xf32, #tpu.memory_space<vmem>>, %arg6: memref<1024x1024xf32, #tpu.memory_space<vmem>>, %arg7: memref<1024x2048xf32, #tpu.memory_space<vmem>>, %arg8: memref<!tpu.dma_semaphore, #tpu.memory_space<semaphore_mem>>, %arg9: memref<!tpu.dma_semaphore, #tpu.memory_space<semaphore_mem>>, %arg10: memref<!tpu.dma_semaphore, #tpu.memory_space<semaphore_mem>>) attributes {dimension_semantics = [], scalar_prefetch = 0 : i64, scratch_operands = 5 : i64, tpu.core_type = #tpu.core_type<tc>} {
    tpu.enqueue_dma source(%arg2 : memref<1024x1024xf32, #tpu.memory_space<any>>) target(%arg6 : memref<1024x1024xf32, #tpu.memory_space<vmem>>) target_semaphore(%arg8 : memref<!tpu.dma_semaphore, #tpu.memory_space<semaphore_mem>>)
    %dma_start3A = arith.constant 0 : i32
    %dma_start3A_0 = arith.constant 0 : i32
    %dma_start3A_1 = tpu.memref_slice %arg7[%dma_start3A, %dma_start3A_0] : memref<1024x2048xf32, #tpu.memory_space<vmem>> -> memref<512x2048xf32, #tpu.memory_space<vmem>>
    %dma_start3A_2 = arith.constant 0 : i32
    %dma_start3A_3 = arith.constant 0 : i32
    %dma_start3A_4 = tpu.memref_slice %arg3[%dma_start3A_2, %dma_start3A_3] : memref<1024x2048xf32, #tpu.memory_space<any>> -> memref<512x2048xf32, #tpu.memory_space<any>>
    tpu.enqueue_dma source(%dma_start3A_4 : memref<512x2048xf32, #tpu.memory_space<any>>) target(%dma_start3A_1 : memref<512x2048xf32, #tpu.memory_space<vmem>>) target_semaphore(%arg9 : memref<!tpu.dma_semaphore, #tpu.memory_space<semaphore_mem>>)
    %dma_start3A_5 = arith.constant 512 : i32
    %dma_start3A_6 = arith.constant 0 : i32
    %dma_start3A_7 = tpu.memref_slice %arg7[%dma_start3A_5, %dma_start3A_6] : memref<1024x2048xf32, #tpu.memory_space<vmem>> -> memref<512x2048xf32, #tpu.memory_space<vmem>>
    %dma_start3A_8 = arith.constant 512 : i32
    %dma_start3A_9 = arith.constant 0 : i32
    %dma_start3A_10 = tpu.memref_slice %arg3[%dma_start3A_8, %dma_start3A_9] : memref<1024x2048xf32, #tpu.memory_space<any>> -> memref<512x2048xf32, #tpu.memory_space<any>>
    tpu.enqueue_dma source(%dma_start3A_10 : memref<512x2048xf32, #tpu.memory_space<any>>) target(%dma_start3A_7 : memref<512x2048xf32, #tpu.memory_space<vmem>>) target_semaphore(%arg10 : memref<!tpu.dma_semaphore, #tpu.memory_space<semaphore_mem>>)
    %get3A = arith.constant 0 : index
    %get3A_11 = arith.constant 0 : index
    %get3A_12 = vector.load %arg0[%get3A, %get3A_11] : memref<4x1024xf32, #tpu.memory_space<vmem>>, vector<4x1024xf32>
    %get3A_13 = arith.constant 0 : index
    %get3A_14 = arith.constant 0 : index
    %get3A_15 = arith.constant 0 : index
    %get3A_16 = vector.load %arg1[%get3A_13, %get3A_14, %get3A_15] : memref<4x8x1024xf32, #tpu.memory_space<vmem>>, vector<4x8x1024xf32>
    tpu.wait_dma2 semaphore(%arg8 : memref<!tpu.dma_semaphore, #tpu.memory_space<semaphore_mem>>) src(%arg2 : memref<1024x1024xf32, #tpu.memory_space<any>>) dst(%arg6 : memref<1024x1024xf32, #tpu.memory_space<vmem>>)
    %get3A_17 = arith.constant 0 : index
    %get3A_18 = arith.constant 0 : index
    %get3A_19 = vector.load %arg6[%get3A_17, %get3A_18] : memref<1024x1024xf32, #tpu.memory_space<vmem>>, vector<1024x1024xf32>
    %dot_general3A = arith.constant dense<0.000000e+00> : vector<4x1024xf32>
    %dot_general3A_20 = tpu.matmul %get3A_12, %get3A_19, %dot_general3A {dimension_numbers = #tpu.dot_dimension_numbers<[1], [1], [0], [0], [0, 0, 1, 0], [], []>, transpose_lhs_hint = false} : vector<4x1024xf32>, vector<1024x1024xf32>, vector<4x1024xf32> -> vector<4x1024xf32>
    %slice3A = vector.extract_strided_slice %dot_general3A_20 {offsets = [0, 0], sizes = [1, 1024], strides = [1, 1]} : vector<4x1024xf32> to vector<1x1024xf32>
    %broadcast_in_dim3A = vector.shape_cast %slice3A : vector<1x1024xf32> to vector<1x1024xf32>
    %broadcast_in_dim3A_21 = vector.broadcast %broadcast_in_dim3A : vector<1x1024xf32> to vector<8x1024xf32>
    %slice3A_22 = vector.extract_strided_slice %get3A_16 {offsets = [0, 0, 0], sizes = [1, 8, 1024], strides = [1, 1, 1]} : vector<4x8x1024xf32> to vector<1x8x1024xf32>
    %squeeze3A = vector.shape_cast %slice3A_22 : vector<1x8x1024xf32> to vector<8x1024xf32>
    %dot_general3A_23 = arith.constant dense<0.000000e+00> : vector<8x8xf32>
    %dot_general3A_24 = tpu.matmul %broadcast_in_dim3A_21, %squeeze3A, %dot_general3A_23 {dimension_numbers = #tpu.dot_dimension_numbers<[1], [1], [0], [0], [0, 0, 1, 0], [], []>, transpose_lhs_hint = false} : vector<8x1024xf32>, vector<8x1024xf32>, vector<8x8xf32> -> vector<8x8xf32>
    %slice3A_25 = vector.extract_strided_slice %dot_general3A_24 {offsets = [0, 0], sizes = [1, 8], strides = [1, 1]} : vector<8x8xf32> to vector<1x8xf32>
    %slice3A_26 = vector.extract_strided_slice %dot_general3A_20 {offsets = [1, 0], sizes = [1, 1024], strides = [1, 1]} : vector<4x1024xf32> to vector<1x1024xf32>
    %broadcast_in_dim3A_27 = vector.shape_cast %slice3A_26 : vector<1x1024xf32> to vector<1x1024xf32>
    %broadcast_in_dim3A_28 = vector.broadcast %broadcast_in_dim3A_27 : vector<1x1024xf32> to vector<8x1024xf32>
    %slice3A_29 = vector.extract_strided_slice %get3A_16 {offsets = [1, 0, 0], sizes = [1, 8, 1024], strides = [1, 1, 1]} : vector<4x8x1024xf32> to vector<1x8x1024xf32>
    %squeeze3A_30 = vector.shape_cast %slice3A_29 : vector<1x8x1024xf32> to vector<8x1024xf32>
    %dot_general3A_31 = arith.constant dense<0.000000e+00> : vector<8x8xf32>
    %dot_general3A_32 = tpu.matmul %broadcast_in_dim3A_28, %squeeze3A_30, %dot_general3A_31 {dimension_numbers = #tpu.dot_dimension_numbers<[1], [1], [0], [0], [0, 0, 1, 0], [], []>, transpose_lhs_hint = false} : vector<8x1024xf32>, vector<8x1024xf32>, vector<8x8xf32> -> vector<8x8xf32>
    %slice3A_33 = vector.extract_strided_slice %dot_general3A_32 {offsets = [0, 0], sizes = [1, 8], strides = [1, 1]} : vector<8x8xf32> to vector<1x8xf32>
    %slice3A_34 = vector.extract_strided_slice %dot_general3A_20 {offsets = [2, 0], sizes = [1, 1024], strides = [1, 1]} : vector<4x1024xf32> to vector<1x1024xf32>
    %broadcast_in_dim3A_35 = vector.shape_cast %slice3A_34 : vector<1x1024xf32> to vector<1x1024xf32>
    %broadcast_in_dim3A_36 = vector.broadcast %broadcast_in_dim3A_35 : vector<1x1024xf32> to vector<8x1024xf32>
    %slice3A_37 = vector.extract_strided_slice %get3A_16 {offsets = [2, 0, 0], sizes = [1, 8, 1024], strides = [1, 1, 1]} : vector<4x8x1024xf32> to vector<1x8x1024xf32>
    %squeeze3A_38 = vector.shape_cast %slice3A_37 : vector<1x8x1024xf32> to vector<8x1024xf32>
    %dot_general3A_39 = arith.constant dense<0.000000e+00> : vector<8x8xf32>
    %dot_general3A_40 = tpu.matmul %broadcast_in_dim3A_36, %squeeze3A_38, %dot_general3A_39 {dimension_numbers = #tpu.dot_dimension_numbers<[1], [1], [0], [0], [0, 0, 1, 0], [], []>, transpose_lhs_hint = false} : vector<8x1024xf32>, vector<8x1024xf32>, vector<8x8xf32> -> vector<8x8xf32>
    %slice3A_41 = vector.extract_strided_slice %dot_general3A_40 {offsets = [0, 0], sizes = [1, 8], strides = [1, 1]} : vector<8x8xf32> to vector<1x8xf32>
    %slice3A_42 = vector.extract_strided_slice %dot_general3A_20 {offsets = [3, 0], sizes = [1, 1024], strides = [1, 1]} : vector<4x1024xf32> to vector<1x1024xf32>
    %broadcast_in_dim3A_43 = vector.shape_cast %slice3A_42 : vector<1x1024xf32> to vector<1x1024xf32>
    %broadcast_in_dim3A_44 = vector.broadcast %broadcast_in_dim3A_43 : vector<1x1024xf32> to vector<8x1024xf32>
    %slice3A_45 = vector.extract_strided_slice %get3A_16 {offsets = [3, 0, 0], sizes = [1, 8, 1024], strides = [1, 1, 1]} : vector<4x8x1024xf32> to vector<1x8x1024xf32>
    %squeeze3A_46 = vector.shape_cast %slice3A_45 : vector<1x8x1024xf32> to vector<8x1024xf32>
    %dot_general3A_47 = arith.constant dense<0.000000e+00> : vector<8x8xf32>
    %dot_general3A_48 = tpu.matmul %broadcast_in_dim3A_44, %squeeze3A_46, %dot_general3A_47 {dimension_numbers = #tpu.dot_dimension_numbers<[1], [1], [0], [0], [0, 0, 1, 0], [], []>, transpose_lhs_hint = false} : vector<8x1024xf32>, vector<8x1024xf32>, vector<8x8xf32> -> vector<8x8xf32>
    %slice3A_49 = vector.extract_strided_slice %dot_general3A_48 {offsets = [0, 0], sizes = [1, 8], strides = [1, 1]} : vector<8x8xf32> to vector<1x8xf32>
    %concatenate3A = tpu.concatenate %slice3A_25, %slice3A_33, %slice3A_41, %slice3A_49 in 0 : vector<1x8xf32>, vector<1x8xf32>, vector<1x8xf32>, vector<1x8xf32> -> vector<4x8xf32>
    %reduce_max3A = arith.constant dense<0xFF800000> : vector<4xf32>
    %reduce_max3A_50 = vector.multi_reduction <maximumf>, %concatenate3A, %reduce_max3A [1] : vector<4x8xf32> to vector<4xf32>
    %broadcast_in_dim3A_51 = vector.shape_cast %reduce_max3A_50 : vector<4xf32> to vector<4x1xf32>
    %sub3A = vector.broadcast %broadcast_in_dim3A_51 : vector<4x1xf32> to vector<4x8xf32>
    %sub3A_52 = arith.subf %concatenate3A, %sub3A : vector<4x8xf32>
    %exp3A = math.exp %sub3A_52 : vector<4x8xf32>
    %reduce_sum3A = arith.constant dense<0.000000e+00> : vector<4xf32>
    %reduce_sum3A_53 = vector.multi_reduction <add>, %exp3A, %reduce_sum3A [1] : vector<4x8xf32> to vector<4xf32>
    %broadcast_in_dim3A_54 = vector.shape_cast %reduce_sum3A_53 : vector<4xf32> to vector<4x1xf32>
    %div3A = vector.broadcast %broadcast_in_dim3A_54 : vector<4x1xf32> to vector<4x8xf32>
    %div3A_55 = arith.divf %exp3A, %div3A : vector<4x8xf32>
    %swap3A = arith.constant 0 : index
    %swap3A_56 = arith.constant 0 : index
    %swap3A_57 = vector.load %arg5[%swap3A, %swap3A_56] : memref<4x8xf32, #tpu.memory_space<vmem>>, vector<4x8xf32>
    tpu.vector_store %arg5[%swap3A, %swap3A_56], %div3A_55 {strides = array<i32>} : memref<4x8xf32, #tpu.memory_space<vmem>>, vector<4x8xf32>,
    %slice3A_58 = vector.extract_strided_slice %div3A_55 {offsets = [0, 0], sizes = [1, 8], strides = [1, 1]} : vector<4x8xf32> to vector<1x8xf32>
    %slice3A_59 = vector.extract_strided_slice %get3A_16 {offsets = [0, 0, 0], sizes = [1, 8, 1024], strides = [1, 1, 1]} : vector<4x8x1024xf32> to vector<1x8x1024xf32>
    %squeeze3A_60 = vector.shape_cast %slice3A_59 : vector<1x8x1024xf32> to vector<8x1024xf32>
    %dot_general3A_61 = arith.constant dense<0.000000e+00> : vector<1x1024xf32>
    %dot_general3A_62 = tpu.matmul %slice3A_58, %squeeze3A_60, %dot_general3A_61 {dimension_numbers = #tpu.dot_dimension_numbers<[1], [0], [0], [1], [0, 0, 1, 1], [], []>, transpose_lhs_hint = false} : vector<1x8xf32>, vector<8x1024xf32>, vector<1x1024xf32> -> vector<1x1024xf32>
    %slice3A_63 = vector.extract_strided_slice %div3A_55 {offsets = [1, 0], sizes = [1, 8], strides = [1, 1]} : vector<4x8xf32> to vector<1x8xf32>
    %slice3A_64 = vector.extract_strided_slice %get3A_16 {offsets = [1, 0, 0], sizes = [1, 8, 1024], strides = [1, 1, 1]} : vector<4x8x1024xf32> to vector<1x8x1024xf32>
    %squeeze3A_65 = vector.shape_cast %slice3A_64 : vector<1x8x1024xf32> to vector<8x1024xf32>
    %dot_general3A_66 = arith.constant dense<0.000000e+00> : vector<1x1024xf32>
    %dot_general3A_67 = tpu.matmul %slice3A_63, %squeeze3A_65, %dot_general3A_66 {dimension_numbers = #tpu.dot_dimension_numbers<[1], [0], [0], [1], [0, 0, 1, 1], [], []>, transpose_lhs_hint = false} : vector<1x8xf32>, vector<8x1024xf32>, vector<1x1024xf32> -> vector<1x1024xf32>
    %slice3A_68 = vector.extract_strided_slice %div3A_55 {offsets = [2, 0], sizes = [1, 8], strides = [1, 1]} : vector<4x8xf32> to vector<1x8xf32>
    %slice3A_69 = vector.extract_strided_slice %get3A_16 {offsets = [2, 0, 0], sizes = [1, 8, 1024], strides = [1, 1, 1]} : vector<4x8x1024xf32> to vector<1x8x1024xf32>
    %squeeze3A_70 = vector.shape_cast %slice3A_69 : vector<1x8x1024xf32> to vector<8x1024xf32>
    %dot_general3A_71 = arith.constant dense<0.000000e+00> : vector<1x1024xf32>
    %dot_general3A_72 = tpu.matmul %slice3A_68, %squeeze3A_70, %dot_general3A_71 {dimension_numbers = #tpu.dot_dimension_numbers<[1], [0], [0], [1], [0, 0, 1, 1], [], []>, transpose_lhs_hint = false} : vector<1x8xf32>, vector<8x1024xf32>, vector<1x1024xf32> -> vector<1x1024xf32>
    %slice3A_73 = vector.extract_strided_slice %div3A_55 {offsets = [3, 0], sizes = [1, 8], strides = [1, 1]} : vector<4x8xf32> to vector<1x8xf32>
    %slice3A_74 = vector.extract_strided_slice %get3A_16 {offsets = [3, 0, 0], sizes = [1, 8, 1024], strides = [1, 1, 1]} : vector<4x8x1024xf32> to vector<1x8x1024xf32>
    %squeeze3A_75 = vector.shape_cast %slice3A_74 : vector<1x8x1024xf32> to vector<8x1024xf32>
    %dot_general3A_76 = arith.constant dense<0.000000e+00> : vector<1x1024xf32>
    %dot_general3A_77 = tpu.matmul %slice3A_73, %squeeze3A_75, %dot_general3A_76 {dimension_numbers = #tpu.dot_dimension_numbers<[1], [0], [0], [1], [0, 0, 1, 1], [], []>, transpose_lhs_hint = false} : vector<1x8xf32>, vector<8x1024xf32>, vector<1x1024xf32> -> vector<1x1024xf32>
    %concatenate3A_78 = tpu.concatenate %dot_general3A_62, %dot_general3A_67, %dot_general3A_72, %dot_general3A_77 in 0 : vector<1x1024xf32>, vector<1x1024xf32>, vector<1x1024xf32>, vector<1x1024xf32> -> vector<4x1024xf32>
    %dma_wait3A = arith.constant 0 : i32
    %dma_wait3A_79 = arith.constant 0 : i32
    %dma_wait3A_80 = tpu.memref_slice %arg7[%dma_wait3A, %dma_wait3A_79] : memref<1024x2048xf32, #tpu.memory_space<vmem>> -> memref<512x2048xf32, #tpu.memory_space<vmem>>
    %dma_wait3A_81 = arith.constant 0 : i32
    %dma_wait3A_82 = arith.constant 0 : i32
    %dma_wait3A_83 = tpu.memref_slice %arg3[%dma_wait3A_81, %dma_wait3A_82] : memref<1024x2048xf32, #tpu.memory_space<any>> -> memref<512x2048xf32, #tpu.memory_space<any>>
    tpu.wait_dma2 semaphore(%arg9 : memref<!tpu.dma_semaphore, #tpu.memory_space<semaphore_mem>>) src(%dma_wait3A_83 : memref<512x2048xf32, #tpu.memory_space<any>>) dst(%dma_wait3A_80 : memref<512x2048xf32, #tpu.memory_space<vmem>>)
    %get3A_84 = arith.constant 0 : index
    %get3A_85 = arith.constant 0 : index
    %get3A_86 = vector.load %arg7[%get3A_84, %get3A_85] : memref<1024x2048xf32, #tpu.memory_space<vmem>>, vector<512x2048xf32>
    %slice3A_87 = vector.extract_strided_slice %get3A_86 {offsets = [0, 0], sizes = [512, 1024], strides = [1, 1]} : vector<512x2048xf32> to vector<512x1024xf32>
    %dot_general3A_88 = arith.constant dense<0.000000e+00> : vector<4x512xf32>
    %dot_general3A_89 = tpu.matmul %concatenate3A_78, %slice3A_87, %dot_general3A_88 {dimension_numbers = #tpu.dot_dimension_numbers<[1], [1], [0], [0], [0, 0, 1, 0], [], []>, transpose_lhs_hint = false} : vector<4x1024xf32>, vector<512x1024xf32>, vector<4x512xf32> -> vector<4x512xf32>
    %slice3A_90 = vector.extract_strided_slice %get3A_86 {offsets = [0, 1024], sizes = [512, 1024], strides = [1, 1]} : vector<512x2048xf32> to vector<512x1024xf32>
    %dot_general3A_91 = arith.constant dense<0.000000e+00> : vector<4x512xf32>
    %dot_general3A_92 = tpu.matmul %get3A_12, %slice3A_90, %dot_general3A_91 {dimension_numbers = #tpu.dot_dimension_numbers<[1], [1], [0], [0], [0, 0, 1, 0], [], []>, transpose_lhs_hint = false} : vector<4x1024xf32>, vector<512x1024xf32>, vector<4x512xf32> -> vector<4x512xf32>
    %add3A = arith.addf %dot_general3A_89, %dot_general3A_92 : vector<4x512xf32>
    %tanh3A = math.tanh %add3A : vector<4x512xf32>
    %swap3A_93 = arith.constant 0 : index
    %swap3A_94 = arith.constant 0 : index
    %swap3A_95 = vector.load %arg4[%swap3A_93, %swap3A_94] : memref<4x1024xf32, #tpu.memory_space<vmem>>, vector<4x512xf32>
    tpu.vector_store %arg4[%swap3A_93, %swap3A_94], %tanh3A {strides = array<i32>} : memref<4x1024xf32, #tpu.memory_space<vmem>>, vector<4x512xf32>,
    %dma_wait3A_96 = arith.constant 512 : i32
    %dma_wait3A_97 = arith.constant 0 : i32
    %dma_wait3A_98 = tpu.memref_slice %arg7[%dma_wait3A_96, %dma_wait3A_97] : memref<1024x2048xf32, #tpu.memory_space<vmem>> -> memref<512x2048xf32, #tpu.memory_space<vmem>>
    %dma_wait3A_99 = arith.constant 512 : i32
    %dma_wait3A_100 = arith.constant 0 : i32
    %dma_wait3A_101 = tpu.memref_slice %arg3[%dma_wait3A_99, %dma_wait3A_100] : memref<1024x2048xf32, #tpu.memory_space<any>> -> memref<512x2048xf32, #tpu.memory_space<any>>
    tpu.wait_dma2 semaphore(%arg10 : memref<!tpu.dma_semaphore, #tpu.memory_space<semaphore_mem>>) src(%dma_wait3A_101 : memref<512x2048xf32, #tpu.memory_space<any>>) dst(%dma_wait3A_98 : memref<512x2048xf32, #tpu.memory_space<vmem>>)
    %get3A_102 = arith.constant 512 : index
    %get3A_103 = arith.constant 0 : index
    %get3A_104 = vector.load %arg7[%get3A_102, %get3A_103] : memref<1024x2048xf32, #tpu.memory_space<vmem>>, vector<512x2048xf32>
    %slice3A_105 = vector.extract_strided_slice %get3A_104 {offsets = [0, 0], sizes = [512, 1024], strides = [1, 1]} : vector<512x2048xf32> to vector<512x1024xf32>
    %dot_general3A_106 = arith.constant dense<0.000000e+00> : vector<4x512xf32>
    %dot_general3A_107 = tpu.matmul %concatenate3A_78, %slice3A_105, %dot_general3A_106 {dimension_numbers = #tpu.dot_dimension_numbers<[1], [1], [0], [0], [0, 0, 1, 0], [], []>, transpose_lhs_hint = false} : vector<4x1024xf32>, vector<512x1024xf32>, vector<4x512xf32> -> vector<4x512xf32>
    %slice3A_108 = vector.extract_strided_slice %get3A_104 {offsets = [0, 1024], sizes = [512, 1024], strides = [1, 1]} : vector<512x2048xf32> to vector<512x1024xf32>
    %dot_general3A_109 = arith.constant dense<0.000000e+00> : vector<4x512xf32>
    %dot_general3A_110 = tpu.matmul %get3A_12, %slice3A_108, %dot_general3A_109 {dimension_numbers = #tpu.dot_dimension_numbers<[1], [1], [0], [0], [0, 0, 1, 0], [], []>, transpose_lhs_hint = false} : vector<4x1024xf32>, vector<512x1024xf32>, vector<4x512xf32> -> vector<4x512xf32>
    %add3A_111 = arith.addf %dot_general3A_107, %dot_general3A_110 : vector<4x512xf32>
    %tanh3A_112 = math.tanh %add3A_111 : vector<4x512xf32>
    %swap3A_113 = arith.constant 0 : index
    %swap3A_114 = arith.constant 512 : index
    %swap3A_115 = vector.load %arg4[%swap3A_113, %swap3A_114] : memref<4x1024xf32, #tpu.memory_space<vmem>>, vector<4x512xf32>
    tpu.vector_store %arg4[%swap3A_113, %swap3A_114], %tanh3A_112 {strides = array<i32>} : memref<4x1024xf32, #tpu.memory_space<vmem>>, vector<4x512xf32>,
    return
  }
}

</mosaic_0001>

<sc_bundles>
// kernel: kernel.5.cloned.1.call-start
scs
__scs_entry_jumppad:
0x0: {  	(pc) =	sbr.rel $0x88, $3  }
0x1: {  	(tag) =	ssettag $0x0;
	lr =	simm.s32 $0x1  }
0x2: {  	[smem:$0x3F9B] =	sst lr;
	_ =	strace $0xD0000000  }
0x3: {  	_ = 	snop  }
0x4: {  	_ = 	snop  }
0x5: {  	_ = 	snop  }
0x6: {  	_ = 	snop  }
0x7: {  	_ = 	snop  }
__scs_overlays_trampoline_lowered:
0x8: {  	[smem:$0x3FAA] =	sst s0  }
0x9: {  	[smem:$0x3FAB] =	sst s1  }
0xa: {  	[smem:$0x3FAC] =	sst s2  }
0xb: {  	[smem:$0x3FAD] =	sst s3  }
0xc: {  	[smem:$0x3FAE] =	sst s4  }
0xd: {  	[smem:$0x3FAF] =	sst s5  }
0xe: {  	[smem:$0x3FB0] =	sst s6  }
0xf: {  	[smem:$0x3FB1] =	sst s7  }
0x10: {  	[smem:$0x3FB2] =	sst s8  }
0x11: {  	[smem:$0x3FB3] =	sst s9;
	s0 =	simm.s32 @!p0 $0x0  }
0x12: {  	s1 =	sld [smem:$0x3F99];
	s0 =	simm.s32 @p0 $0x1  }
0x13: {  	[smem:$0x3FB4] =	sst s0;
	s0 =	simm.s32 @!p1 $0x0  }
0x14: {  	s2 =	sld [smem:$0x3F98];
	s0 =	simm.s32 @p1 $0x1  }
0x15: {  	[smem:$0x3FB5] =	sst s0;
	s0 =	simm.s32 @!p2 $0x0  }
0x16: {  	s3 =	sld [smem:$0x3FDB];
	s0 =	simm.s32 @p2 $0x1  }
0x17: {  	s4 =	simm.s32 $0x1BF5;
	[smem:$0x3FB7] =	sst s0  }
0x18: {  	s0 =	sld [smem:$0x3F9A];
	_ =	swait.ge [sflag:s4], $0x0  }
0x19: {  	s7 =	sld [smem:$0x3F9B]  }
0x1a: {  	s8 =	sadd.s32 $0xFFFFE003, lr  }
0x1b: {  	s9 =	sadd.s32 $0xFFFFFEF7, lr;
	s5 =	simm.s32 $0xFFFFFFFF;
	p2 =	slt.u32 s8, $0xFFFFF086  }
0x1c: {  	p1 =	slt.u32 s9, $0xF7A;
	s5 =	simm.s32 @!p2 $0x0  }
0x1d: {  	s5 =	simm.s32 @p1 $0x1;
	p0 =	seq.s32 s7, s2  }
0x1e: {  	s7 =	smul.u32 @!p0 $0xF7A, s2;
	p2 =	seq.s32 @!p0 s5, $0x0  }
0x1f: {  	s9 =	smul.u32 $0xF7A, s1;
	s8 =	simm.s32 @!p0 $0x1BF5;
	p2 =	por !p2, p0  }
0x20: {  	[sflag:s8] =	ssyncset.s32 @!p0 $0xFFFFF086;
	s6 =	sadd.s32 @!p0 s3, s7;
	s7 =	simm.s32 @!p0 $0x108  }
0x21: {  	s3 =	sadd.s32 s3, s9;
	s6 =	sadd.s32 @!p0 $0x88, s6;
	s7 =	simm.s32 @p2 $0x1082  }
0x22: {  	[simem:s7], [sflag:s8] =	dma.local @!p0 [hbm:s6], $0xF7A  }
0x23: {  	s9 =	sor.u32 $0xD0000000, s2;
	s6 =	simm.s32 $0x108;
	_ =	swait.ge @!p0 [sflag:s8], $0x0  }
0x24: {  	s3 =	sadd.s32 $0x88, s3;
	s6 =	simm.s32 @!p1 $0x1082;
	[sflag:s4] =	ssyncset.s32 $0xFFFFF086  }
0x25: {  	[simem:s6], [sflag:s4] =	dma.local [hbm:s3], $0xF7A  }
0x26: {  	[smem:$0x3F9B] =	sst s1;
	(tag) =	ssettag s2;
	_ =	strace s9  }
0x27: {  	s1 =	sld [smem:$0x3FAB]  }
0x28: {  	s2 =	sld [smem:$0x3FAC]  }
0x29: {  	s4 =	sld [smem:$0x3FAE]  }
0x2a: {  	p0 =	seq.s32 s5, $0x0;
	s5 =	sld [smem:$0x3FAF]  }
0x2b: {  	s6 =	sld [smem:$0x3FB0]  }
0x2c: {  	s7 =	sld [smem:$0x3FB1]  }
0x2d: {  	s3 =	simm.s32 $0x108;
	s8 =	sld [smem:$0x3FB2]  }
0x2e: {  	s3 =	simm.s32 @!p0 $0x1082;
	s9 =	sld [smem:$0x3FB3]  }
0x2f: {  	lr =	sadd.s32 s0, s3;
	s0 =	sld [smem:$0x3FAA]  }
0x30: {  	s3 =	sld [smem:$0x3FAD]  }
0x31: {  	[smem:$0x3FB6] =	sst s10  }
0x32: {  	s10 =	sld [smem:$0x3FB4];
	_ =	sdelay $0x3  }
0x33: {  	p0 =	seq.s32 s10, $0x1;
	s10 =	sld [smem:$0x3FB6];
	_ =	sdelay $0x3  }
0x34: {  	[smem:$0x3FB6] =	sst s10  }
0x35: {  	s10 =	sld [smem:$0x3FB5];
	_ =	sdelay $0x3  }
0x36: {  	p1 =	seq.s32 s10, $0x1;
	s10 =	sld [smem:$0x3FB6];
	_ =	sdelay $0x3  }
0x37: {  	[smem:$0x3FB6] =	sst s10  }
0x38: {  	s10 =	sld [smem:$0x3FB7]  }
0x39: {  	_ = 	snop;
	(pc) =	sbr.ind lr, $3  }
0x3a: {  	_ = 	snop  }
0x3b: {  	_ = 	snop  }
0x3c: {  	p2 =	seq.s32 s10, $0x1;
	s10 =	sld [smem:$0x3FB6]  }
0x3d: {  	_ =	shalt  }
0x3e: {  	_ =	shalt  }
0x3f: {  	_ =	shalt  }
0x40: {  	_ =	shalt  }
0x41: {  	_ =	shalt  }
0x42: {  	_ =	shalt  }
0x43: {  	_ =	shalt  }
0x44: {  	_ =	shalt  }
0x45: {  	_ =	shalt  }
0x46: {  	_ =	shalt  }
0x47: {  	_ =	shalt  }
0x48: {  	_ =	shalt  }
0x49: {  	_ =	shalt  }
0x4a: {  	_ =	shalt  }
0x4b: {  	_ =	shalt  }
0x4c: {  	_ =	shalt  }
0x4d: {  	_ =	shalt  }
0x4e: {  	_ =	shalt  }
0x4f: {  	_ =	shalt  }
0x50: {  	_ =	shalt  }
0x51: {  	_ =	shalt  }
0x52: {  	_ =	shalt  }
0x53: {  	_ =	shalt  }
0x54: {  	_ =	shalt  }
0x55: {  	_ =	shalt  }
0x56: {  	_ =	shalt  }
0x57: {  	_ =	shalt  }
0x58: {  	_ =	shalt  }
0x59: {  	_ =	shalt  }
0x5a: {  	_ =	shalt  }
0x5b: {  	_ =	shalt  }
0x5c: {  	_ =	shalt  }
0x5d: {  	_ =	shalt  }
0x5e: {  	_ =	shalt  }
0x5f: {  	_ =	shalt  }
0x60: {  	_ =	shalt  }
0x61: {  	_ =	shalt  }
0x62: {  	_ =	shalt  }
0x63: {  	_ =	shalt  }
0x64: {  	_ =	shalt  }
0x65: {  	_ =	shalt  }
0x66: {  	_ =	shalt  }
0x67: {  	_ =	shalt  }
0x68: {  	_ =	shalt  }
0x69: {  	_ =	shalt  }
0x6a: {  	_ =	shalt  }
0x6b: {  	_ =	shalt  }
0x6c: {  	_ =	shalt  }
0x6d: {  	_ =	shalt  }
0x6e: {  	_ =	shalt  }
0x6f: {  	_ =	shalt  }
0x70: {  	_ =	shalt  }
0x71: {  	_ =	shalt  }
0x72: {  	_ =	shalt  }
0x73: {  	_ =	shalt  }
0x74: {  	_ =	shalt  }
0x75: {  	_ =	shalt  }
0x76: {  	_ =	shalt  }
0x77: {  	_ =	shalt  }
0x78: {  	_ =	shalt  }
0x79: {  	_ =	shalt  }
0x7a: {  	_ =	shalt  }
0x7b: {  	_ =	shalt  }
0x7c: {  	_ =	shalt  }
0x7d: {  	_ =	shalt  }
0x7e: {  	_ =	shalt  }
0x7f: {  	_ =	shalt  }
0x80: {  	_ =	shalt  }
0x81: {  	_ =	shalt  }
0x82: {  	_ =	shalt  }
0x83: {  	_ =	shalt  }
0x84: {  	_ =	shalt  }
0x85: {  	_ =	shalt  }
0x86: {  	_ =	shalt  }
0x87: {  	_ =	shalt  }
.Lfunc_end0:
.L_simem_size_0:
called_computation_lowered:
.L_overlay_start_0:
0x88: {  	s2 =	sld [smem:$0x3FD9]  }
0x89: {  	s3 =	sld [smem:$0x3FFE];
	_ =	sdelay $0x1  }
0x8a: {  	s1 =	srdreg.scid  }
0x8b: {  	s0 =	sand.u32 $0x1, s1  }
0x8c: {  	s14 =	sshll.u32 s0, $0xA;
	s2 =	sadd.s32 s3, s2  }
0x8d: {  	s2 =	sadd.s32 s2, s14  }
0x8e: {  	[smem:$0x3FC2] =	sst s2  }
0x8f: {  	_ = 	snop  }
0x90: {  	s2 =	sld [smem:$0x3FD0];
	_ =	sdelay $0x2  }
0x91: {  	s4 =	simm.s32 $0xA;
	s5 =	simm.s32 $0x10;
	s15 =	sld [smem:$0x3FC8]  }
0x92: {  	[smem:s5], [sflag:s4] =	dma.local [hbm:s2], $0x1  }
0x93: {  	_ =	swait.eq [sflag:s4], $0x1  }
0x94: {  	[sflag:s4] =	ssyncset.done $0x0  }
0x95: {  	[sflag:s4] =	ssyncadd.s32 $0xFFFFFFFF  }
0x96: {  	s16 =	sld [smem:$0x11];
	(tm) =	ssettm $0x1  }
0x97: {  	s17 =	sld [smem:$0x3FFB];
	_ =	sdelay $0x3  }
0x98: {  	_ =	strace s17  }
0x99: {  	s4 =	sld [smem:$0x3FFC];
	_ =	sdelay $0x3  }
0x9a: {  	_ =	strace s4  }
0x9b: {  	s4 =	sld [smem:$0x3FFD];
	_ =	sdelay $0x3  }
0x9c: {  	_ =	strace s4  }
0x9d: {  	_ =	strace $0x8FFFFFFF  }
0x9e: {  	s18 =	sld [smem:$0x3FDB];
	_ =	sdelay $0x1  }
0x9f: {  	s19 =	simm.s32 $_scs_section_size  }
0xa0: {  	s6 =	simm.s32 $_size__tile_overlayer_lowered;
	s7 =	simm.s32 $_tile_overlayer_lowered  }
0xa1: {  	s22 =	simm.s32 $0x1BFF;
	s21 =	sshll.u32 s7, $0x1;
	s4 =	sadd.s32 s19, s18  }
0xa2: {  	s8 =	simm.s32 $0x0;
	s20 =	sshll.u32 s6, $0x1;
	s6 =	sadd.s32 s21, s4  }
0xa3: {  	[timem:s8], [sflag:s22] =	dma.local [hbm:s6], s20  }
0xa4: {  	_ =	swait.ge [sflag:s22], s20  }
0xa5: {  	s5 =	ssub.s32 $0x0, s20;
	[sflag:s22] =	ssyncset.done $0x0  }
0xa6: {  	[sflag:s22] =	ssyncadd.s32 s5;
	_ =	sdelay $0x1  }
0xa7: {  	s23 =	simm.s32 $0x1B8B  }
0xa8: {  	_ =	swait.ge [sflag:s23], $0x1  }
0xa9: {  	[sflag:s23] =	ssyncset.done $0x0  }
0xaa: {  	s25 =	simm.s32 $0x1B8E;
	s24 =	sld [smem:$0x3FFE];
	[sflag:s23] =	ssyncadd.s32 $0xFFFFFFFF  }
0xab: {  	s26 =	simm.s32 $execute0_lowered;
	[smem:$0x3FD2] =	sst s25  }
0xac: {  	s6 =	sshll.u32 s26, $0x1;
	_ =	strace $0x80000046;
	[dreg:$0x1] =	wrdreg $0xFFFFFFFF  }
0xad: {  	s28 =	simm.s32 $_size_execute0_lowered;
	s4 =	sadd.s32 s4, s6;
	[dreg:$0x0] =	wrdreg $0x0  }
0xae: {  	s6 =	sshll.u32 s28, $0x1;
	[dreg:$0x2] =	wrdreg s4  }
0xaf: {  	[dreg:$0x3] =	wrdreg s6  }
0xb0: {  	[dreg:$0x4] =	wrdreg $0xC0  }
0xb1: {  	_ =	task [dreg:s8], $0x5FFFF  }
0xb2: {  	[dreg:$0x1] =	wrdreg $0xFFFFFFFF  }
0xb3: {  	[dreg:$0x0] =	wrdreg $0x60  }
0xb4: {  	[dreg:$0x2] =	wrdreg s15  }
0xb5: {  	[dreg:$0x3] =	wrdreg s16  }
0xb6: {  	[dreg:$0x4] =	wrdreg s24  }
0xb7: {  	[dreg:$0x5] =	wrdreg $0x9  }
0xb8: {  	_ =	task.clear_ibuf [dreg:s8], $0x6FFFF;
	_ =	strace $0x90000046  }
0xb9: {  	s29 =	simm.s32 $0x9;
	_ =	strace $0x80000048  }
0xba: {  	_ =	swait.ge [sflag:s29], $0x1  }
0xbb: {  	[sflag:s29] =	ssyncadd.s32 $0xFFFFFFFF  }
0xbc: {  	_ =	strace $0x90000048  }
0xbd: {  	_ =	sfence  }
0xbe: {  	s30 =	sld [smem:$0x0];
	_ =	sdelay $0x2  }
0xbf: {  	s31 =	sshll.u32 s1, $0xD;
	s1 =	sshrl.u32 s1, $0x2  }
0xc0: {  	s3 =	sand.u32 $0x4000, s31;
	s1 =	sadd.s32 s1, s30  }
0xc1: {  	s0 =	sor.u32 s3, s0;
	s1 =	sshll.u32 s1, $0x11  }
0xc2: {  	s0 =	sor.u32 s1, s0  }
0xc3: {  	s0 =	sadd.s32 $0x8F2B, s0  }
0xc4: {  	[sflag:s0] =	ssyncadd.remote.s32 $0x1  }
0xc5: {  	_ =	sfence.sel $0xFFFF  }
0xc6: {  	[dreg:$0x0] =	wrdreg $0xFFFFFFFF;
	(pc) =	sbr.abs _section_cstart, $3  }
0xc7: {  	[dreg:$0x1] =	wrdreg $0xFFFFFFFF  }
0xc8: {  	_ =	task.clear_ibuf [dreg:s8], $0x2FFFF;
	_ =	strace $0x9FFFFFFF  }
0xc9: {  	(tm) =	ssettm $0x7FFFFFFF  }
tec
execute0_lowered:
.L_overlay_start_1:
0x0: {  	(tag) =	ssettag $0x1  }
0x1: {  	s1 =	stileid.u32  }
0x2: {  	p0 =	sgt.u32 s1, $0x1  }
.Ltmp0:
0x3: {  	s2 =	rddreg [dreg:$0x0];
	(pc) =	sbr.rel @p0 .LBB2_4-.Ltmp0, $4  }
0x4: {  	s4 =	rddreg [dreg:$0x1]  }
0x5: {  	s14 =	rddreg [dreg:$0x2];
	s3 =	simm.s32 $0x0  }
0x6: {  	[smem:$0x7FF] =	sst s3  }
0x7: {  	s0 =	rddreg [dreg:$0x3];
	_ =	strace $0x80000047  }
0x8: {  	s5 =	srdreg.scid  }
0x9: {  	s30 =	sshll.u32 s1, $0x1;
	s12 =	sand.u32 $0x1, s5  }
0xa: {  	s15 =	sor.u32 s12, s30  }
0xb: {  	s5 =	sadd.s32 s4, s15;
	s4 =	simm.s32 $0x2  }
0xc: {  	[tilespmem:s3], [sflag:$0x2] =	stream.linear.gather [hbm4b:s5+s3], $0x8, $0x38;
	[tilespmem:$0x2080] =	vst v63  }
0xd: {  	_ =	swait.ge [sflag:s4], $0x8  }
0xe: {  	[sflag:s4] =	ssyncset.done $0x0  }
0xf: {  	[sflag:s4] =	ssyncadd.s32 $0xFFFFFFF8  }
0x10: {  	v0 =	vld.msk [tilespmem:$0x0], $0xff;
	_ =	sdelay $0x4  }
0x11: {  	v1 =	vshll.u32 v0, $0x3  }
0x12: {  	v2 =	vlaneseq.u32;
	v3 =	vand.u32 $0x7, v0;
	v1 =	vand.u32 $0xFFFFFFC0, v1  }
0x13: {  	v0 =	vand.u32 $0x7, v2;
	v2 =	vshrl.u32 v2, $0x3;
	v3 =	vor.u32 v3, v1  }
0x14: {  	v1 =	vmul.u32 $0x8, v2;
	v2 =	vperm.xlane v3, v0;
	_ =	sdelay $0x1  }
0x15: {  	v2 =	vadd.s32 v1, v2;
	_ =	sdelay $0x2  }
0x16: {  	s6 =	simm.s32 $0x80;
	s7 =	sadd.s32 $0x100, s2  }
0x17: {  	vm0 =	vmmov $0xffff;
	s8 =	simm.s32 $0x880;
	s9 =	sadd.s32 $0x200, s2;
	s16 =	ssub.s32 $0x2, s12  }
0x18: {  	[tilespmem:s6], [sflag:$0x1] =	stream.indirect_vreg.gather [hbm4b:s2+s3], $0x80, v2, vm0, $0xb8;
	[tilespmem:$0x2080] =	vst v63  }
0x19: {  	s10 =	sadd.s32 $0x300, s2;
	s11 =	simm.s32 $0x1080;
	s17 =	sshrl.u32 s16, $0x1  }
0x1a: {  	[tilespmem:s8], [sflag:$0x1] =	stream.indirect_vreg.gather [hbm4b:s7+s3], $0x80, v2, vm0, $0xb8;
	[tilespmem:$0x2080] =	vst v63  }
0x1b: {  	s13 =	simm.s32 $0x1;
	s15 =	sshll.u32 s15, $0xA;
	s31 =	ssub.s32 s16, s17  }
0x1c: {  	[tilespmem:s11], [sflag:$0x1] =	stream.indirect_vreg.gather [hbm4b:s9+s3], $0x80, v2, vm0, $0xb8;
	[tilespmem:$0x2080] =	vst v63  }
0x1d: {  	s12 =	simm.s32 $0x1880;
	s14 =	sadd.s32 s15, s14;
	s15 =	smax.u32 s31, $0x1  }
0x1e: {  	[tilespmem:s12], [sflag:$0x1] =	stream.indirect_vreg.gather [hbm4b:s10+s3], $0x80, v2, vm0, $0xb8;
	[tilespmem:$0x2080] =	vst v63  }
0x1f: {  	p0 =	sne.s32 s15, $0x1;
	_ =	swait.ge [sflag:s13], $0x2000  }
.Ltmp1:
0x20: {  	[sflag:s13] =	ssyncset.done $0x0;
	(pc) =	sbr.rel @!p0 .LBB2_3-.Ltmp1, $4  }
0x21: {  	s14 =	sadd.s32 $0x1200, s14;
	[sflag:s13] =	ssyncadd.s32 $0xFFFFE000  }
0x22: {  	[hbm4b:s14+s3] =	stream.linear.scatter [tilespmem:s6], [sflag:$0x2], $0x2000, $0x38;
	[tilespmem:$0x2080] =	vst v63  }
0x23: {  	_ =	swait.ge [sflag:s4], $0x2000  }
0x24: {  	s15 =	sadd.s32 $0xFFFFFFFF, s15;
	[sflag:s4] =	ssyncset.done $0x0  }
.LBB2_2:
0x25: {  	p0 =	sne.s32 s15, $0x1;
	s15 =	sadd.s32 $0xFFFFFFFF, s15;
	[sflag:s4] =	ssyncadd.s32 $0xFFFFE000  }
0x26: {  	[tilespmem:s3], [sflag:$0x2] =	stream.linear.gather [hbm4b:s5+s3], $0x8, $0x38;
	[tilespmem:$0x2080] =	vst v63  }
0x27: {  	_ =	swait.ge [sflag:s4], $0x8  }
0x28: {  	[sflag:s4] =	ssyncset.done $0x0  }
0x29: {  	[sflag:s4] =	ssyncadd.s32 $0xFFFFFFF8  }
0x2a: {  	v2 =	vld.msk [tilespmem:$0x0], $0xff;
	_ =	sdelay $0x4  }
0x2b: {  	v3 =	vshll.u32 v2, $0x3  }
0x2c: {  	v2 =	vand.u32 $0x7, v2;
	v3 =	vand.u32 $0xFFFFFFC0, v3  }
0x2d: {  	v2 =	vor.u32 v2, v3  }
0x2e: {  	v2 =	vperm.xlane v2, v0;
	_ =	sdelay $0x1  }
0x2f: {  	v2 =	vadd.s32 v1, v2;
	_ =	sdelay $0x4  }
0x30: {  	[tilespmem:s6], [sflag:$0x1] =	stream.indirect_vreg.gather [hbm4b:s2+s3], $0x80, v2, vm0, $0xb8;
	[tilespmem:$0x2080] =	vst v63  }
0x31: {  	_ = 	snop  }
0x32: {  	[tilespmem:s8], [sflag:$0x1] =	stream.indirect_vreg.gather [hbm4b:s7+s3], $0x80, v2, vm0, $0xb8;
	[tilespmem:$0x2080] =	vst v63  }
0x33: {  	_ = 	snop  }
0x34: {  	[tilespmem:s11], [sflag:$0x1] =	stream.indirect_vreg.gather [hbm4b:s9+s3], $0x80, v2, vm0, $0xb8;
	[tilespmem:$0x2080] =	vst v63  }
0x35: {  	_ = 	snop  }
0x36: {  	[tilespmem:s12], [sflag:$0x1] =	stream.indirect_vreg.gather [hbm4b:s10+s3], $0x80, v2, vm0, $0xb8;
	[tilespmem:$0x2080] =	vst v63  }
0x37: {  	_ =	swait.ge [sflag:s13], $0x2000  }
.Ltmp2:
0x38: {  	[sflag:s13] =	ssyncset.done $0x0;
	(pc) =	sbr.rel @p0 .LBB2_2-.Ltmp2, $4  }
0x39: {  	[sflag:s13] =	ssyncadd.s32 $0xFFFFE000  }
0x3a: {  	[hbm4b:s14+s3] =	stream.linear.scatter [tilespmem:s6], [sflag:$0x2], $0x2000, $0x38;
	[tilespmem:$0x2080] =	vst v63  }
0x3b: {  	_ =	swait.ge [sflag:s4], $0x2000  }
0x3c: {  	[sflag:s4] =	ssyncset.done $0x0  }
.LBB2_3:
0x3d: {  	[sflag:s4] =	ssyncadd.s32 $0xFFFFE000  }
.LBB2_4:
0x3e: {  	_ =	sfence.sel $0x180000  }
0x3f: {  	[bflag:$0x0] =	sbarrier.arrive $0xFFFF  }
0x40: {  	p0 =	sne.s32 s1, $0x0;
	_ =	strace $0x90000047  }
0x41: {  	s0 =	sadd.s32 @!p0 $0x100000, s0;
	[bflag:$0x2] =	sbarrier.arrive $0xFFFF  }
0x42: {  	[sflag:s0] =	ssyncadd.tile.s32 @!p0 $0x1;
	_ =	shalt  }
.Lfunc_end2:
_tile_overlayer_lowered:
.L_overlay_start_2:
0x43: {  	(tag) =	ssettag $0x2  }
0x44: {  	s0 =	rddreg [dreg:$0x0];
	s2 =	stileid.u32  }
0x45: {  	s1 =	rddreg [dreg:$0x1];
	p0 =	sne.s32 s2, $0x0  }
0x46: {  	s3 =	rddreg [dreg:$0x2];
	[bflag:$0x3] =	sbarrier.arrive $0xFFFF;
	s2 =	simm.s32 @!p0 $0x1C02  }
0x47: {  	[timem:s3], [sflag:s2] =	dma.local @!p0 [hbm:s0], s1  }
0x48: {  	s0 =	simm.s32 @!p0 $0x2  }
0x49: {  	_ =	swait.ge @!p0 [sflag:s0], s1  }
0x4a: {  	s1 =	ssub.s32 @!p0 $0x0, s1;
	[sflag:s0] =	ssyncset.done @!p0 $0x0  }
0x4b: {  	[sflag:s0] =	ssyncadd.s32 @!p0 s1  }
0x4c: {  	[bflag:$0x3] =	sbarrier.arrive $0xFFFF  }
0x4d: {  	_ =	shalt  }

</sc_bundles>
